<compile_context>
chip_gen: v7x
topology: tpu7x:2x2x1
jax: 0.10.2.dev20260603
libtpu: 0.0.44.dev20260713+nightly
codegen_flags: <defaults>
</compile_context>

<pallas_src>
import functools

import jax
import jax.numpy as jnp
from jax import lax
from jax.experimental import pallas as pl
from jax.experimental.pallas import tpu as pltpu
from jax.experimental.pallas import tpu_sc as plsc


def _matvec_body(tt_ref, w_ref, b_ref, s_ref):
    s_ref[...] = (lax.dot_general(
        w_ref[...], tt_ref[...],
        dimension_numbers=(((1,), (0,)), ((), ())),
        preferred_element_type=jnp.float32,
    ) + b_ref[0, 0]).reshape(s_ref.shape)


def _scored_table(table, fc_w, fc_b):
    v, d = table.shape
    vb = 32768
    grid = -(-v // vb)
    s2 = pl.pallas_call(
        _matvec_body,
        grid=(grid,),
        in_specs=[
            pl.BlockSpec((d, vb), lambda i: (0, i)),
            pl.BlockSpec((1, d), lambda i: (0, 0)),
            pl.BlockSpec((1, 1), lambda i: (0, 0)),
        ],
        out_specs=pl.BlockSpec((vb,), lambda i: (i,)),
        out_shape=jax.ShapeDtypeStruct((v,), jnp.float32),
    )(table.T, fc_w, fc_b.reshape(1, 1))
    return s2


def _make_sc_pool(b: int, l: int):
    info = plsc.get_sparse_core_info()
    nc, ns = info.num_cores, info.num_subcores
    nw = nc * ns
    rows_w = b // nw
    n_idx = rows_w * l
    groups = rows_w // 16
    assert b % nw == 0 and rows_w % 16 == 0 and rows_w <= 128

    mesh = plsc.VectorSubcoreMesh(core_axis_name="c", subcore_axis_name="s")

    @functools.partial(
        pl.kernel,
        out_type=jax.ShapeDtypeStruct((b,), jnp.float32),
        mesh=mesh,
        scratch_types=[
            pltpu.VMEM((l, rows_w), jnp.int32),
            pltpu.VMEM((n_idx,), jnp.float32),
            pltpu.VMEM((rows_w,), jnp.float32),
            pltpu.SemaphoreType.DMA,
        ],
    )
    def pool(xt_hbm, s_hbm, out_hbm, idx_v, val_v, out_v, sem):
        wid = lax.axis_index("s") * nc + lax.axis_index("c")

        pltpu.sync_copy(xt_hbm.at[:, pl.ds(wid * rows_w, rows_w)], idx_v)

        def fire(c, _):
            pltpu.make_async_copy(
                s_hbm.at[idx_v.at[c]],
                val_v.at[pl.ds(c * rows_w, rows_w)],
                sem,
            ).start()
            return 0

        lax.fori_loop(0, l, fire, 0)

        def body(c, accs):
            pltpu.make_async_copy(
                s_hbm.at[idx_v.at[c]],
                val_v.at[pl.ds(c * rows_w, rows_w)],
                sem,
            ).wait()
            off = c * rows_w
            return tuple(
                accs[g] + val_v[pl.ds(off + g * 16, 16)] for g in range(groups)
            )

        accs = lax.fori_loop(
            0, l, body, tuple(jnp.zeros((16,), jnp.float32) for _ in range(groups))
        )

        inv_l = jnp.float32(1.0 / l)
        for g in range(groups):
            z = accs[g] * inv_l
            out_v[pl.ds(g * 16, 16)] = 1.0 / (1.0 + jnp.exp(-z))

        pltpu.sync_copy(out_v, out_hbm.at[pl.ds(wid * rows_w, rows_w)])

    return pool


def kernel(x, table, fc_w, fc_b):
    b, l = x.shape
    s = _scored_table(table, fc_w, fc_b)
    pool = _make_sc_pool(b, l)
    out = pool(x.T, s)
    return out.reshape(b, 1)

# --- scband reference (transcript-rebuilt; emitter-appended) ---
"""Pipeline reference for scband-q6-3-48473000903102 (READ-ONLY COPY).

The authoritative reference and input builder live on the scoring server;
editing this copy changes nothing except your own understanding.
"""

import jax, jax.numpy as jnp
import numpy as np

VOCAB = 1000000
EMBED_DIM = 64
BATCH = 4096
HIST = 200

def setup_inputs(seed: int = 0) -> dict:
    key = jax.random.key(seed)
    k1, k2, k3, k4 = jax.random.split(key, 4)
    x = jax.random.randint(k1, (BATCH, HIST), 0, VOCAB, dtype=jnp.int64 if jax.config.jax_enable_x64 else jnp.int32)
    table = jax.random.normal(k2, (VOCAB, EMBED_DIM), dtype=jnp.float32)
    fc_w = jax.random.normal(k3, (1, EMBED_DIM), dtype=jnp.float32) * (1.0 / np.sqrt(EMBED_DIM))
    fc_b = jnp.zeros((1,), dtype=jnp.float32)
    return {"x": x, "table": table, "fc_w": fc_w, "fc_b": fc_b}

def reference(x, table, fc_w, fc_b):
    # per-row embedding lookup: [B, L, D]
    z = jnp.take(table, x, axis=0)
    # mean over the sequence dim for each item in the batch: [B, D]
    avg = jnp.mean(z, axis=1)
    # linear layer: [B, 1]
    out = avg @ fc_w.T + fc_b
    # sigmoid
    h = jax.nn.sigmoid(out)
    return h

if __name__ == "__main__":
    import jax
    _d = setup_inputs()
    print(jax.jit(kernel)(*tuple(_d.values())))

</pallas_src>

<mosaic_0001>
#map = affine_map<(d0, d1) -> (0, 0)>
#map1 = affine_map<(d0, d1) -> (0)>
module attributes {stable_mosaic.version = 14 : i64} {
  func.func @pool(%arg0: i32, %arg1: i32, %arg2: memref<200x4096xi32, #tpu.memory_space<hbm>>, %arg3: memref<1000000xf32, #tpu.memory_space<hbm>>, %arg4: memref<4096xf32, #tpu.memory_space<hbm>>, %arg5: memref<200x128xi32, #tpu.memory_space<vmem>>, %arg6: memref<25600xf32, #tpu.memory_space<vmem>>, %arg7: memref<128xf32, #tpu.memory_space<vmem>>, %arg8: memref<!tpu.dma_semaphore, #tpu.memory_space<semaphore_mem>>) attributes {dimension_semantics = [#tpu.dimension_semantics<core_parallel>, #tpu.dimension_semantics<subcore_parallel>], iteration_bounds = array<i64: 2, 16>, scalar_prefetch = 0 : i64, scratch_operands = 4 : i64, tpu.core_type = #tpu.core_type<sc_vector_subcore>, window_params = [{transform_indices = #map}, {transform_indices = #map1}, {transform_indices = #map1}]} {
    %mul3A = arith.constant 2 : i32
    %mul3A_0 = arith.muli %arg1, %mul3A : i32
    %add3A = arith.addi %mul3A_0, %arg0 : i32
    %mul3A_1 = arith.constant 128 : i32
    %mul3A_2 = arith.muli %add3A, %mul3A_1 : i32
    "tpu.region"() ({
      %run_scoped3A = tpu.sem_alloc : memref<!tpu.dma_semaphore, #tpu.memory_space<semaphore_mem>>
      %dma_start3A = arith.constant 0 : i32
      %dma_start3A_164 = tpu.memref_slice %arg2[%dma_start3A, %mul3A_2] : memref<200x4096xi32, #tpu.memory_space<hbm>> -> memref<200x128xi32, #tpu.memory_space<hbm>>
      %dma_start3A_165 = arith.constant 0 : i32
      %dma_start3A_166 = tpu.memref_slice %arg2[%dma_start3A_165, %mul3A_2] : memref<200x4096xi32, #tpu.memory_space<hbm>> -> memref<200x128xi32, #tpu.memory_space<hbm>>
      tpu.enqueue_dma source(%dma_start3A_166 : memref<200x128xi32, #tpu.memory_space<hbm>>) target(%arg5 : memref<200x128xi32, #tpu.memory_space<vmem>>) target_semaphore(%run_scoped3A : memref<!tpu.dma_semaphore, #tpu.memory_space<semaphore_mem>>)
      %dma_wait3A = arith.constant 0 : i32
      %dma_wait3A_167 = tpu.memref_slice %arg2[%dma_wait3A, %mul3A_2] : memref<200x4096xi32, #tpu.memory_space<hbm>> -> memref<200x128xi32, #tpu.memory_space<hbm>>
      %dma_wait3A_168 = arith.constant 0 : i32
      %dma_wait3A_169 = tpu.memref_slice %arg2[%dma_wait3A_168, %mul3A_2] : memref<200x4096xi32, #tpu.memory_space<hbm>> -> memref<200x128xi32, #tpu.memory_space<hbm>>
      tpu.wait_dma2 semaphore(%run_scoped3A : memref<!tpu.dma_semaphore, #tpu.memory_space<semaphore_mem>>) src(%dma_wait3A_169 : memref<200x128xi32, #tpu.memory_space<hbm>>) dst(%arg5 : memref<200x128xi32, #tpu.memory_space<vmem>>)
      tpu.yield
    }) : () -> ()
    %scan3A = arith.constant 0 : i32
    %scan3A_3 = arith.constant 0 : i32
    %scan3A_4 = arith.constant 200 : i32
    %scan3A_5 = arith.addi %scan3A_3, %scan3A_4 : i32
    %scan3A_6 = arith.constant 1 : i32
    %scan3A_7 = scf.for %scan3A_164 = %scan3A_3 to %scan3A_5 step %scan3A_6 iter_args(%scan3A_165 = %scan3A) -> (i32)  : i32 {
      %mul3A_166 = arith.constant 128 : i32
      %mul3A_167 = arith.muli %scan3A_164, %mul3A_166 : i32
      %dma_start3A = tpu.memref_slice %arg6[%mul3A_167] : memref<25600xf32, #tpu.memory_space<vmem>> -> memref<128xf32, #tpu.memory_space<vmem>>
      %dma_start3A_168 = arith.constant 0 : i32
      %dma_start3A_169 = tpu.memref_slice %arg5[%scan3A_164, %dma_start3A_168] : memref<200x128xi32, #tpu.memory_space<vmem>> -> memref<1x128xi32, #tpu.memory_space<vmem>>
      %dma_start3A_170 = tpu.memref_squeeze %dma_start3A_169 : memref<1x128xi32, #tpu.memory_space<vmem>> -> memref<128xi32, #tpu.memory_space<vmem>>
      %dma_start3A_171 = arith.constant 0 : i32
      %dma_start3A_172 = tpu.memref_slice %arg3[%dma_start3A_171] : memref<1000000xf32, #tpu.memory_space<hbm>> -> memref<1000000xf32, #tpu.memory_space<hbm>>
      tpu.enqueue_indirect_dma source(%dma_start3A_172 : memref<1000000xf32, #tpu.memory_space<hbm>>) target(%dma_start3A : memref<128xf32, #tpu.memory_space<vmem>>) offsets(%dma_start3A_170 : memref<128xi32, #tpu.memory_space<vmem>>) semaphore(%arg8 : memref<!tpu.dma_semaphore, #tpu.memory_space<semaphore_mem>>)
      %scan3A_173 = arith.constant 0 : i32
      scf.yield %scan3A_173 : i32
    }
    %scan3A_8 = arith.constant 200 : i32
    %broadcast_in_dim3A = arith.constant 0.000000e+00 : f32
    %broadcast_in_dim3A_9 = vector.broadcast %broadcast_in_dim3A : f32 to vector<16xf32>
    %broadcast_in_dim3A_10 = arith.constant 0.000000e+00 : f32
    %broadcast_in_dim3A_11 = vector.broadcast %broadcast_in_dim3A_10 : f32 to vector<16xf32>
    %broadcast_in_dim3A_12 = arith.constant 0.000000e+00 : f32
    %broadcast_in_dim3A_13 = vector.broadcast %broadcast_in_dim3A_12 : f32 to vector<16xf32>
    %broadcast_in_dim3A_14 = arith.constant 0.000000e+00 : f32
    %broadcast_in_dim3A_15 = vector.broadcast %broadcast_in_dim3A_14 : f32 to vector<16xf32>
    %broadcast_in_dim3A_16 = arith.constant 0.000000e+00 : f32
    %broadcast_in_dim3A_17 = vector.broadcast %broadcast_in_dim3A_16 : f32 to vector<16xf32>
    %broadcast_in_dim3A_18 = arith.constant 0.000000e+00 : f32
    %broadcast_in_dim3A_19 = vector.broadcast %broadcast_in_dim3A_18 : f32 to vector<16xf32>
    %broadcast_in_dim3A_20 = arith.constant 0.000000e+00 : f32
    %broadcast_in_dim3A_21 = vector.broadcast %broadcast_in_dim3A_20 : f32 to vector<16xf32>
    %broadcast_in_dim3A_22 = arith.constant 0.000000e+00 : f32
    %broadcast_in_dim3A_23 = vector.broadcast %broadcast_in_dim3A_22 : f32 to vector<16xf32>
    %scan3A_24 = arith.constant 0 : i32
    %scan3A_25 = arith.constant 200 : i32
    %scan3A_26 = arith.addi %scan3A_24, %scan3A_25 : i32
    %scan3A_27 = arith.constant 1 : i32
    %scan3A_28:8 = scf.for %scan3A_164 = %scan3A_24 to %scan3A_26 step %scan3A_27 iter_args(%scan3A_165 = %broadcast_in_dim3A_9, %scan3A_166 = %broadcast_in_dim3A_11, %scan3A_167 = %broadcast_in_dim3A_13, %scan3A_168 = %broadcast_in_dim3A_15, %scan3A_169 = %broadcast_in_dim3A_17, %scan3A_170 = %broadcast_in_dim3A_19, %scan3A_171 = %broadcast_in_dim3A_21, %scan3A_172 = %broadcast_in_dim3A_23) -> (vector<16xf32>, vector<16xf32>, vector<16xf32>, vector<16xf32>, vector<16xf32>, vector<16xf32>, vector<16xf32>, vector<16xf32>)  : i32 {
      %mul3A_173 = arith.constant 128 : i32
      %mul3A_174 = arith.muli %scan3A_164, %mul3A_173 : i32
      %dma_wait3A = tpu.memref_slice %arg6[%mul3A_174] : memref<25600xf32, #tpu.memory_space<vmem>> -> memref<128xf32, #tpu.memory_space<vmem>>
      %dma_wait3A_175 = arith.constant 0 : i32
      %dma_wait3A_176 = tpu.memref_slice %arg5[%scan3A_164, %dma_wait3A_175] : memref<200x128xi32, #tpu.memory_space<vmem>> -> memref<1x128xi32, #tpu.memory_space<vmem>>
      %dma_wait3A_177 = tpu.memref_squeeze %dma_wait3A_176 : memref<1x128xi32, #tpu.memory_space<vmem>> -> memref<128xi32, #tpu.memory_space<vmem>>
      %dma_wait3A_178 = arith.constant 0 : i32
      %dma_wait3A_179 = tpu.memref_slice %arg3[%dma_wait3A_178] : memref<1000000xf32, #tpu.memory_space<hbm>> -> memref<1000000xf32, #tpu.memory_space<hbm>>
      tpu.wait_indirect_dma semaphore(%arg8 : memref<!tpu.dma_semaphore, #tpu.memory_space<semaphore_mem>>) src(%dma_wait3A_179 : memref<1000000xf32, #tpu.memory_space<hbm>>) dst(%dma_wait3A : memref<128xf32, #tpu.memory_space<vmem>>)
      %mul3A_180 = arith.constant 128 : i32
      %mul3A_181 = arith.muli %scan3A_164, %mul3A_180 : i32
      %add3A_182 = arith.constant 0 : i32
      %add3A_183 = arith.addi %mul3A_181, %add3A_182 : i32
      %get3A = arith.index_cast %add3A_183 : i32 to index
      %get3A_184 = tpu.vector_load %arg6[%get3A] {strides = array<i32>} : memref<25600xf32, #tpu.memory_space<vmem>>, vector<16xf32>,
      %get3A_185 = vector.shape_cast %get3A_184 : vector<16xf32> to vector<16xf32>
      %add3A_186 = arith.addf %scan3A_165, %get3A_185 : vector<16xf32>
      %add3A_187 = arith.constant 16 : i32
      %add3A_188 = arith.addi %mul3A_181, %add3A_187 : i32
      %get3A_189 = arith.index_cast %add3A_188 : i32 to index
      %get3A_190 = tpu.vector_load %arg6[%get3A_189] {strides = array<i32>} : memref<25600xf32, #tpu.memory_space<vmem>>, vector<16xf32>,
      %get3A_191 = vector.shape_cast %get3A_190 : vector<16xf32> to vector<16xf32>
      %add3A_192 = arith.addf %scan3A_166, %get3A_191 : vector<16xf32>
      %add3A_193 = arith.constant 32 : i32
      %add3A_194 = arith.addi %mul3A_181, %add3A_193 : i32
      %get3A_195 = arith.index_cast %add3A_194 : i32 to index
      %get3A_196 = tpu.vector_load %arg6[%get3A_195] {strides = array<i32>} : memref<25600xf32, #tpu.memory_space<vmem>>, vector<16xf32>,
      %get3A_197 = vector.shape_cast %get3A_196 : vector<16xf32> to vector<16xf32>
      %add3A_198 = arith.addf %scan3A_167, %get3A_197 : vector<16xf32>
      %add3A_199 = arith.constant 48 : i32
      %add3A_200 = arith.addi %mul3A_181, %add3A_199 : i32
      %get3A_201 = arith.index_cast %add3A_200 : i32 to index
      %get3A_202 = tpu.vector_load %arg6[%get3A_201] {strides = array<i32>} : memref<25600xf32, #tpu.memory_space<vmem>>, vector<16xf32>,
      %get3A_203 = vector.shape_cast %get3A_202 : vector<16xf32> to vector<16xf32>
      %add3A_204 = arith.addf %scan3A_168, %get3A_203 : vector<16xf32>
      %add3A_205 = arith.constant 64 : i32
      %add3A_206 = arith.addi %mul3A_181, %add3A_205 : i32
      %get3A_207 = arith.index_cast %add3A_206 : i32 to index
      %get3A_208 = tpu.vector_load %arg6[%get3A_207] {strides = array<i32>} : memref<25600xf32, #tpu.memory_space<vmem>>, vector<16xf32>,
      %get3A_209 = vector.shape_cast %get3A_208 : vector<16xf32> to vector<16xf32>
      %add3A_210 = arith.addf %scan3A_169, %get3A_209 : vector<16xf32>
      %add3A_211 = arith.constant 80 : i32
      %add3A_212 = arith.addi %mul3A_181, %add3A_211 : i32
      %get3A_213 = arith.index_cast %add3A_212 : i32 to index
      %get3A_214 = tpu.vector_load %arg6[%get3A_213] {strides = array<i32>} : memref<25600xf32, #tpu.memory_space<vmem>>, vector<16xf32>,
      %get3A_215 = vector.shape_cast %get3A_214 : vector<16xf32> to vector<16xf32>
      %add3A_216 = arith.addf %scan3A_170, %get3A_215 : vector<16xf32>
      %add3A_217 = arith.constant 96 : i32
      %add3A_218 = arith.addi %mul3A_181, %add3A_217 : i32
      %get3A_219 = arith.index_cast %add3A_218 : i32 to index
      %get3A_220 = tpu.vector_load %arg6[%get3A_219] {strides = array<i32>} : memref<25600xf32, #tpu.memory_space<vmem>>, vector<16xf32>,
      %get3A_221 = vector.shape_cast %get3A_220 : vector<16xf32> to vector<16xf32>
      %add3A_222 = arith.addf %scan3A_171, %get3A_221 : vector<16xf32>
      %add3A_223 = arith.constant 112 : i32
      %add3A_224 = arith.addi %mul3A_181, %add3A_223 : i32
      %get3A_225 = arith.index_cast %add3A_224 : i32 to index
      %get3A_226 = tpu.vector_load %arg6[%get3A_225] {strides = array<i32>} : memref<25600xf32, #tpu.memory_space<vmem>>, vector<16xf32>,
      %get3A_227 = vector.shape_cast %get3A_226 : vector<16xf32> to vector<16xf32>
      %add3A_228 = arith.addf %scan3A_172, %get3A_227 : vector<16xf32>
      scf.yield %add3A_186, %add3A_192, %add3A_198, %add3A_204, %add3A_210, %add3A_216, %add3A_222, %add3A_228 : vector<16xf32>, vector<16xf32>, vector<16xf32>, vector<16xf32>, vector<16xf32>, vector<16xf32>, vector<16xf32>, vector<16xf32>
    }
    %scan3A_29 = arith.constant 200 : i32
    %mul3A_30 = arith.constant 5.000000e-03 : f32
    %mul3A_31 = vector.broadcast %mul3A_30 : f32 to vector<16xf32>
    %mul3A_32 = arith.mulf %scan3A_28#0, %mul3A_31 : vector<16xf32>
    %neg3A = arith.constant 0.000000e+00 : f32
    %neg3A_33 = vector.broadcast %neg3A : f32 to vector<16xf32>
    %neg3A_34 = arith.subf %neg3A_33, %mul3A_32 : vector<16xf32>
    %exp3A = math.exp %neg3A_34 : vector<16xf32>
    %add3A_35 = arith.constant 1.000000e+00 : f32
    %add3A_36 = vector.broadcast %add3A_35 : f32 to vector<16xf32>
    %add3A_37 = arith.addf %add3A_36, %exp3A : vector<16xf32>
    %div3A = arith.constant 1.000000e+00 : f32
    %div3A_38 = vector.broadcast %div3A : f32 to vector<16xf32>
    %div3A_39 = arith.divf %div3A_38, %add3A_37 : vector<16xf32>
    %swap3A = arith.constant 0 : index
    %swap3A_40 = tpu.vector_load %arg7[%swap3A] {strides = array<i32>} : memref<128xf32, #tpu.memory_space<vmem>>, vector<16xf32>,
    %swap3A_41 = vector.shape_cast %swap3A_40 : vector<16xf32> to vector<16xf32>
    %swap3A_42 = vector.shape_cast %div3A_39 : vector<16xf32> to vector<16xf32>
    tpu.vector_store %arg7[%swap3A], %swap3A_42 {strides = array<i32>} : memref<128xf32, #tpu.memory_space<vmem>>, vector<16xf32>,
    %mul3A_43 = arith.constant 5.000000e-03 : f32
    %mul3A_44 = vector.broadcast %mul3A_43 : f32 to vector<16xf32>
    %mul3A_45 = arith.mulf %scan3A_28#1, %mul3A_44 : vector<16xf32>
    %neg3A_46 = arith.constant 0.000000e+00 : f32
    %neg3A_47 = vector.broadcast %neg3A_46 : f32 to vector<16xf32>
    %neg3A_48 = arith.subf %neg3A_47, %mul3A_45 : vector<16xf32>
    %exp3A_49 = math.exp %neg3A_48 : vector<16xf32>
    %add3A_50 = arith.constant 1.000000e+00 : f32
    %add3A_51 = vector.broadcast %add3A_50 : f32 to vector<16xf32>
    %add3A_52 = arith.addf %add3A_51, %exp3A_49 : vector<16xf32>
    %div3A_53 = arith.constant 1.000000e+00 : f32
    %div3A_54 = vector.broadcast %div3A_53 : f32 to vector<16xf32>
    %div3A_55 = arith.divf %div3A_54, %add3A_52 : vector<16xf32>
    %swap3A_56 = arith.constant 16 : index
    %swap3A_57 = tpu.vector_load %arg7[%swap3A_56] {strides = array<i32>} : memref<128xf32, #tpu.memory_space<vmem>>, vector<16xf32>,
    %swap3A_58 = vector.shape_cast %swap3A_57 : vector<16xf32> to vector<16xf32>
    %swap3A_59 = vector.shape_cast %div3A_55 : vector<16xf32> to vector<16xf32>
    tpu.vector_store %arg7[%swap3A_56], %swap3A_59 {strides = array<i32>} : memref<128xf32, #tpu.memory_space<vmem>>, vector<16xf32>,
    %mul3A_60 = arith.constant 5.000000e-03 : f32
    %mul3A_61 = vector.broadcast %mul3A_60 : f32 to vector<16xf32>
    %mul3A_62 = arith.mulf %scan3A_28#2, %mul3A_61 : vector<16xf32>
    %neg3A_63 = arith.constant 0.000000e+00 : f32
    %neg3A_64 = vector.broadcast %neg3A_63 : f32 to vector<16xf32>
    %neg3A_65 = arith.subf %neg3A_64, %mul3A_62 : vector<16xf32>
    %exp3A_66 = math.exp %neg3A_65 : vector<16xf32>
    %add3A_67 = arith.constant 1.000000e+00 : f32
    %add3A_68 = vector.broadcast %add3A_67 : f32 to vector<16xf32>
    %add3A_69 = arith.addf %add3A_68, %exp3A_66 : vector<16xf32>
    %div3A_70 = arith.constant 1.000000e+00 : f32
    %div3A_71 = vector.broadcast %div3A_70 : f32 to vector<16xf32>
    %div3A_72 = arith.divf %div3A_71, %add3A_69 : vector<16xf32>
    %swap3A_73 = arith.constant 32 : index
    %swap3A_74 = tpu.vector_load %arg7[%swap3A_73] {strides = array<i32>} : memref<128xf32, #tpu.memory_space<vmem>>, vector<16xf32>,
    %swap3A_75 = vector.shape_cast %swap3A_74 : vector<16xf32> to vector<16xf32>
    %swap3A_76 = vector.shape_cast %div3A_72 : vector<16xf32> to vector<16xf32>
    tpu.vector_store %arg7[%swap3A_73], %swap3A_76 {strides = array<i32>} : memref<128xf32, #tpu.memory_space<vmem>>, vector<16xf32>,
    %mul3A_77 = arith.constant 5.000000e-03 : f32
    %mul3A_78 = vector.broadcast %mul3A_77 : f32 to vector<16xf32>
    %mul3A_79 = arith.mulf %scan3A_28#3, %mul3A_78 : vector<16xf32>
    %neg3A_80 = arith.constant 0.000000e+00 : f32
    %neg3A_81 = vector.broadcast %neg3A_80 : f32 to vector<16xf32>
    %neg3A_82 = arith.subf %neg3A_81, %mul3A_79 : vector<16xf32>
    %exp3A_83 = math.exp %neg3A_82 : vector<16xf32>
    %add3A_84 = arith.constant 1.000000e+00 : f32
    %add3A_85 = vector.broadcast %add3A_84 : f32 to vector<16xf32>
    %add3A_86 = arith.addf %add3A_85, %exp3A_83 : vector<16xf32>
    %div3A_87 = arith.constant 1.000000e+00 : f32
    %div3A_88 = vector.broadcast %div3A_87 : f32 to vector<16xf32>
    %div3A_89 = arith.divf %div3A_88, %add3A_86 : vector<16xf32>
    %swap3A_90 = arith.constant 48 : index
    %swap3A_91 = tpu.vector_load %arg7[%swap3A_90] {strides = array<i32>} : memref<128xf32, #tpu.memory_space<vmem>>, vector<16xf32>,
    %swap3A_92 = vector.shape_cast %swap3A_91 : vector<16xf32> to vector<16xf32>
    %swap3A_93 = vector.shape_cast %div3A_89 : vector<16xf32> to vector<16xf32>
    tpu.vector_store %arg7[%swap3A_90], %swap3A_93 {strides = array<i32>} : memref<128xf32, #tpu.memory_space<vmem>>, vector<16xf32>,
    %mul3A_94 = arith.constant 5.000000e-03 : f32
    %mul3A_95 = vector.broadcast %mul3A_94 : f32 to vector<16xf32>
    %mul3A_96 = arith.mulf %scan3A_28#4, %mul3A_95 : vector<16xf32>
    %neg3A_97 = arith.constant 0.000000e+00 : f32
    %neg3A_98 = vector.broadcast %neg3A_97 : f32 to vector<16xf32>
    %neg3A_99 = arith.subf %neg3A_98, %mul3A_96 : vector<16xf32>
    %exp3A_100 = math.exp %neg3A_99 : vector<16xf32>
    %add3A_101 = arith.constant 1.000000e+00 : f32
    %add3A_102 = vector.broadcast %add3A_101 : f32 to vector<16xf32>
    %add3A_103 = arith.addf %add3A_102, %exp3A_100 : vector<16xf32>
    %div3A_104 = arith.constant 1.000000e+00 : f32
    %div3A_105 = vector.broadcast %div3A_104 : f32 to vector<16xf32>
    %div3A_106 = arith.divf %div3A_105, %add3A_103 : vector<16xf32>
    %swap3A_107 = arith.constant 64 : index
    %swap3A_108 = tpu.vector_load %arg7[%swap3A_107] {strides = array<i32>} : memref<128xf32, #tpu.memory_space<vmem>>, vector<16xf32>,
    %swap3A_109 = vector.shape_cast %swap3A_108 : vector<16xf32> to vector<16xf32>
    %swap3A_110 = vector.shape_cast %div3A_106 : vector<16xf32> to vector<16xf32>
    tpu.vector_store %arg7[%swap3A_107], %swap3A_110 {strides = array<i32>} : memref<128xf32, #tpu.memory_space<vmem>>, vector<16xf32>,
    %mul3A_111 = arith.constant 5.000000e-03 : f32
    %mul3A_112 = vector.broadcast %mul3A_111 : f32 to vector<16xf32>
    %mul3A_113 = arith.mulf %scan3A_28#5, %mul3A_112 : vector<16xf32>
    %neg3A_114 = arith.constant 0.000000e+00 : f32
    %neg3A_115 = vector.broadcast %neg3A_114 : f32 to vector<16xf32>
    %neg3A_116 = arith.subf %neg3A_115, %mul3A_113 : vector<16xf32>
    %exp3A_117 = math.exp %neg3A_116 : vector<16xf32>
    %add3A_118 = arith.constant 1.000000e+00 : f32
    %add3A_119 = vector.broadcast %add3A_118 : f32 to vector<16xf32>
    %add3A_120 = arith.addf %add3A_119, %exp3A_117 : vector<16xf32>
    %div3A_121 = arith.constant 1.000000e+00 : f32
    %div3A_122 = vector.broadcast %div3A_121 : f32 to vector<16xf32>
    %div3A_123 = arith.divf %div3A_122, %add3A_120 : vector<16xf32>
    %swap3A_124 = arith.constant 80 : index
    %swap3A_125 = tpu.vector_load %arg7[%swap3A_124] {strides = array<i32>} : memref<128xf32, #tpu.memory_space<vmem>>, vector<16xf32>,
    %swap3A_126 = vector.shape_cast %swap3A_125 : vector<16xf32> to vector<16xf32>
    %swap3A_127 = vector.shape_cast %div3A_123 : vector<16xf32> to vector<16xf32>
    tpu.vector_store %arg7[%swap3A_124], %swap3A_127 {strides = array<i32>} : memref<128xf32, #tpu.memory_space<vmem>>, vector<16xf32>,
    %mul3A_128 = arith.constant 5.000000e-03 : f32
    %mul3A_129 = vector.broadcast %mul3A_128 : f32 to vector<16xf32>
    %mul3A_130 = arith.mulf %scan3A_28#6, %mul3A_129 : vector<16xf32>
    %neg3A_131 = arith.constant 0.000000e+00 : f32
    %neg3A_132 = vector.broadcast %neg3A_131 : f32 to vector<16xf32>
    %neg3A_133 = arith.subf %neg3A_132, %mul3A_130 : vector<16xf32>
    %exp3A_134 = math.exp %neg3A_133 : vector<16xf32>
    %add3A_135 = arith.constant 1.000000e+00 : f32
    %add3A_136 = vector.broadcast %add3A_135 : f32 to vector<16xf32>
    %add3A_137 = arith.addf %add3A_136, %exp3A_134 : vector<16xf32>
    %div3A_138 = arith.constant 1.000000e+00 : f32
    %div3A_139 = vector.broadcast %div3A_138 : f32 to vector<16xf32>
    %div3A_140 = arith.divf %div3A_139, %add3A_137 : vector<16xf32>
    %swap3A_141 = arith.constant 96 : index
    %swap3A_142 = tpu.vector_load %arg7[%swap3A_141] {strides = array<i32>} : memref<128xf32, #tpu.memory_space<vmem>>, vector<16xf32>,
    %swap3A_143 = vector.shape_cast %swap3A_142 : vector<16xf32> to vector<16xf32>
    %swap3A_144 = vector.shape_cast %div3A_140 : vector<16xf32> to vector<16xf32>
    tpu.vector_store %arg7[%swap3A_141], %swap3A_144 {strides = array<i32>} : memref<128xf32, #tpu.memory_space<vmem>>, vector<16xf32>,
    %mul3A_145 = arith.constant 5.000000e-03 : f32
    %mul3A_146 = vector.broadcast %mul3A_145 : f32 to vector<16xf32>
    %mul3A_147 = arith.mulf %scan3A_28#7, %mul3A_146 : vector<16xf32>
    %neg3A_148 = arith.constant 0.000000e+00 : f32
    %neg3A_149 = vector.broadcast %neg3A_148 : f32 to vector<16xf32>
    %neg3A_150 = arith.subf %neg3A_149, %mul3A_147 : vector<16xf32>
    %exp3A_151 = math.exp %neg3A_150 : vector<16xf32>
    %add3A_152 = arith.constant 1.000000e+00 : f32
    %add3A_153 = vector.broadcast %add3A_152 : f32 to vector<16xf32>
    %add3A_154 = arith.addf %add3A_153, %exp3A_151 : vector<16xf32>
    %div3A_155 = arith.constant 1.000000e+00 : f32
    %div3A_156 = vector.broadcast %div3A_155 : f32 to vector<16xf32>
    %div3A_157 = arith.divf %div3A_156, %add3A_154 : vector<16xf32>
    %swap3A_158 = arith.constant 112 : index
    %swap3A_159 = tpu.vector_load %arg7[%swap3A_158] {strides = array<i32>} : memref<128xf32, #tpu.memory_space<vmem>>, vector<16xf32>,
    %swap3A_160 = vector.shape_cast %swap3A_159 : vector<16xf32> to vector<16xf32>
    %swap3A_161 = vector.shape_cast %div3A_157 : vector<16xf32> to vector<16xf32>
    tpu.vector_store %arg7[%swap3A_158], %swap3A_161 {strides = array<i32>} : memref<128xf32, #tpu.memory_space<vmem>>, vector<16xf32>,
    %mul3A_162 = arith.constant 128 : i32
    %mul3A_163 = arith.muli %add3A, %mul3A_162 : i32
    "tpu.region"() ({
      %run_scoped3A = tpu.sem_alloc : memref<!tpu.dma_semaphore, #tpu.memory_space<semaphore_mem>>
      %dma_start3A = tpu.memref_slice %arg4[%mul3A_163] : memref<4096xf32, #tpu.memory_space<hbm>> -> memref<128xf32, #tpu.memory_space<hbm>>
      %dma_start3A_164 = tpu.memref_slice %arg4[%mul3A_163] : memref<4096xf32, #tpu.memory_space<hbm>> -> memref<128xf32, #tpu.memory_space<hbm>>
      tpu.enqueue_dma source(%arg7 : memref<128xf32, #tpu.memory_space<vmem>>) target(%dma_start3A_164 : memref<128xf32, #tpu.memory_space<hbm>>) target_semaphore(%run_scoped3A : memref<!tpu.dma_semaphore, #tpu.memory_space<semaphore_mem>>)
      %dma_wait3A = tpu.memref_slice %arg4[%mul3A_163] : memref<4096xf32, #tpu.memory_space<hbm>> -> memref<128xf32, #tpu.memory_space<hbm>>
      %dma_wait3A_165 = tpu.memref_slice %arg4[%mul3A_163] : memref<4096xf32, #tpu.memory_space<hbm>> -> memref<128xf32, #tpu.memory_space<hbm>>
      tpu.wait_dma2 semaphore(%run_scoped3A : memref<!tpu.dma_semaphore, #tpu.memory_space<semaphore_mem>>) src(%arg7 : memref<128xf32, #tpu.memory_space<vmem>>) dst(%dma_wait3A_165 : memref<128xf32, #tpu.memory_space<hbm>>)
      tpu.yield
    }) : () -> ()
    return
  }
}

module attributes {stable_mosaic.version = 14 : i64} {
  func.func @_matvec_body(%arg0: i32, %arg1: memref<64x32768xf32, #tpu.memory_space<vmem>>, %arg2: memref<1x64xf32, #tpu.memory_space<vmem>>, %arg3: memref<1x1xf32, #tpu.memory_space<vmem>>, %arg4: memref<32768xf32, #tpu.memory_space<vmem>>) attributes {dimension_semantics = [#tpu.dimension_semantics<arbitrary>], iteration_bounds = array<i64: 31>, scalar_prefetch = 0 : i64, scratch_operands = 0 : i64, tpu.core_type = #tpu.core_type<tc>, window_params = [{transform_indices = @transform_0, window_bounds = array<i64: 64, 32768>}, {pipeline_mode = #tpu.pipeline_mode<synchronous>, transform_indices = @transform_1, window_bounds = array<i64: 1, 64>}, {pipeline_mode = #tpu.pipeline_mode<synchronous>, transform_indices = @transform_2, window_bounds = array<i64: 1, 1>}, {transform_indices = @transform_3, window_bounds = array<i64: 32768>}]} {
    %get3A = arith.constant 0 : index
    %get3A_0 = arith.constant 0 : index
    %get3A_1 = vector.load %arg2[%get3A, %get3A_0] : memref<1x64xf32, #tpu.memory_space<vmem>>, vector<1x64xf32>
    %get3A_2 = arith.constant 0 : index
    %get3A_3 = arith.constant 0 : index
    %get3A_4 = vector.load %arg1[%get3A_2, %get3A_3] : memref<64x32768xf32, #tpu.memory_space<vmem>>, vector<64x32768xf32>
    %dot_general3A = arith.constant dense<0.000000e+00> : vector<1x32768xf32>
    %dot_general3A_5 = tpu.matmul %get3A_1, %get3A_4, %dot_general3A {dimension_numbers = #tpu.dot_dimension_numbers<[1], [0], [0], [1], [0, 0, 1, 1], [], []>, transpose_lhs_hint = false} : vector<1x64xf32>, vector<64x32768xf32>, vector<1x32768xf32> -> vector<1x32768xf32>
    %get3A_6 = arith.constant 0 : index
    %get3A_7 = arith.constant 0 : index
    %get3A_8 = vector.load %arg3[%get3A_6, %get3A_7] : memref<1x1xf32, #tpu.memory_space<vmem>>, vector<1x1xf32>
    %get3A_9 = vector.extract %get3A_8[0, 0] : f32 from vector<1x1xf32>
    %add3A = vector.broadcast %get3A_9 : f32 to vector<1x32768xf32>
    %add3A_10 = arith.addf %dot_general3A_5, %add3A : vector<1x32768xf32>
    %reshape3A = vector.shape_cast %add3A_10 : vector<1x32768xf32> to vector<32768xf32>
    %swap3A = arith.constant 0 : index
    %swap3A_11 = vector.load %arg4[%swap3A] : memref<32768xf32, #tpu.memory_space<vmem>>, vector<32768xf32>
    tpu.vector_store %arg4[%swap3A], %reshape3A {strides = array<i32>} : memref<32768xf32, #tpu.memory_space<vmem>>, vector<32768xf32>,
    return
  }
  func.func @transform_0(%arg0: i32) -> (i32, i32) {
    %c0_i32 = arith.constant 0 : i32
    %c0_i32_0 = arith.constant 0 : i32
    return %c0_i32, %arg0 : i32, i32
  }
  func.func @transform_1(%arg0: i32) -> (i32, i32) {
    %c0_i32 = arith.constant 0 : i32
    %c0_i32_0 = arith.constant 0 : i32
    %c0_i32_1 = arith.constant 0 : i32
    return %c0_i32, %c0_i32_0 : i32, i32
  }
  func.func @transform_2(%arg0: i32) -> (i32, i32) {
    %c0_i32 = arith.constant 0 : i32
    %c0_i32_0 = arith.constant 0 : i32
    %c0_i32_1 = arith.constant 0 : i32
    return %c0_i32, %c0_i32_0 : i32, i32
  }
  func.func @transform_3(%arg0: i32) -> i32 {
    %c0_i32 = arith.constant 0 : i32
    return %arg0 : i32
  }
}

</mosaic_0001>

<sc_bundles>
// kernel: kernel.4.cloned.1.call-start
scs
__scs_entry_jumppad:
0x0: {  	(pc) =	sbr.rel $0x88, $3  }
0x1: {  	(tag) =	ssettag $0x0;
	lr =	simm.s32 $0x1  }
0x2: {  	[smem:$0x3F9D] =	sst lr;
	_ =	strace $0xD0000000  }
0x3: {  	_ = 	snop  }
0x4: {  	_ = 	snop  }
0x5: {  	_ = 	snop  }
0x6: {  	_ = 	snop  }
0x7: {  	_ = 	snop  }
__scs_overlays_trampoline_lowered:
0x8: {  	[smem:$0x3FAC] =	sst s0  }
0x9: {  	[smem:$0x3FAD] =	sst s1  }
0xa: {  	[smem:$0x3FAE] =	sst s2  }
0xb: {  	[smem:$0x3FAF] =	sst s3  }
0xc: {  	[smem:$0x3FB0] =	sst s4  }
0xd: {  	[smem:$0x3FB1] =	sst s5  }
0xe: {  	[smem:$0x3FB2] =	sst s6  }
0xf: {  	[smem:$0x3FB3] =	sst s7  }
0x10: {  	[smem:$0x3FB4] =	sst s8  }
0x11: {  	[smem:$0x3FB5] =	sst s9;
	s0 =	simm.s32 @!p0 $0x0  }
0x12: {  	s1 =	sld [smem:$0x3F9B];
	s0 =	simm.s32 @p0 $0x1  }
0x13: {  	[smem:$0x3FB6] =	sst s0;
	s0 =	simm.s32 @!p1 $0x0  }
0x14: {  	s2 =	sld [smem:$0x3F9A];
	s0 =	simm.s32 @p1 $0x1  }
0x15: {  	[smem:$0x3FB7] =	sst s0;
	s0 =	simm.s32 @!p2 $0x0  }
0x16: {  	s3 =	sld [smem:$0x3FDB];
	s0 =	simm.s32 @p2 $0x1  }
0x17: {  	s4 =	simm.s32 $0x1BF5;
	[smem:$0x3FB9] =	sst s0  }
0x18: {  	s0 =	sld [smem:$0x3F9C];
	_ =	swait.ge [sflag:s4], $0x0  }
0x19: {  	s7 =	sld [smem:$0x3F9D]  }
0x1a: {  	s8 =	sadd.s32 $0xFFFFE003, lr  }
0x1b: {  	s9 =	sadd.s32 $0xFFFFFEF7, lr;
	s5 =	simm.s32 $0xFFFFFFFF;
	p2 =	slt.u32 s8, $0xFFFFF086  }
0x1c: {  	p1 =	slt.u32 s9, $0xF7A;
	s5 =	simm.s32 @!p2 $0x0  }
0x1d: {  	s5 =	simm.s32 @p1 $0x1;
	p0 =	seq.s32 s7, s2  }
0x1e: {  	s7 =	smul.u32 @!p0 $0xF7A, s2;
	p2 =	seq.s32 @!p0 s5, $0x0  }
0x1f: {  	s9 =	smul.u32 $0xF7A, s1;
	s8 =	simm.s32 @!p0 $0x1BF5;
	p2 =	por !p2, p0  }
0x20: {  	[sflag:s8] =	ssyncset.s32 @!p0 $0xFFFFF086;
	s6 =	sadd.s32 @!p0 s3, s7;
	s7 =	simm.s32 @!p0 $0x108  }
0x21: {  	s3 =	sadd.s32 s3, s9;
	s6 =	sadd.s32 @!p0 $0x88, s6;
	s7 =	simm.s32 @p2 $0x1082  }
0x22: {  	[simem:s7], [sflag:s8] =	dma.local @!p0 [hbm:s6], $0xF7A  }
0x23: {  	s9 =	sor.u32 $0xD0000000, s2;
	s6 =	simm.s32 $0x108;
	_ =	swait.ge @!p0 [sflag:s8], $0x0  }
0x24: {  	s3 =	sadd.s32 $0x88, s3;
	s6 =	simm.s32 @!p1 $0x1082;
	[sflag:s4] =	ssyncset.s32 $0xFFFFF086  }
0x25: {  	[simem:s6], [sflag:s4] =	dma.local [hbm:s3], $0xF7A  }
0x26: {  	[smem:$0x3F9D] =	sst s1;
	(tag) =	ssettag s2;
	_ =	strace s9  }
0x27: {  	s1 =	sld [smem:$0x3FAD]  }
0x28: {  	s2 =	sld [smem:$0x3FAE]  }
0x29: {  	s4 =	sld [smem:$0x3FB0]  }
0x2a: {  	p0 =	seq.s32 s5, $0x0;
	s5 =	sld [smem:$0x3FB1]  }
0x2b: {  	s6 =	sld [smem:$0x3FB2]  }
0x2c: {  	s7 =	sld [smem:$0x3FB3]  }
0x2d: {  	s3 =	simm.s32 $0x108;
	s8 =	sld [smem:$0x3FB4]  }
0x2e: {  	s3 =	simm.s32 @!p0 $0x1082;
	s9 =	sld [smem:$0x3FB5]  }
0x2f: {  	lr =	sadd.s32 s0, s3;
	s0 =	sld [smem:$0x3FAC]  }
0x30: {  	s3 =	sld [smem:$0x3FAF]  }
0x31: {  	[smem:$0x3FB8] =	sst s10  }
0x32: {  	s10 =	sld [smem:$0x3FB6];
	_ =	sdelay $0x3  }
0x33: {  	p0 =	seq.s32 s10, $0x1;
	s10 =	sld [smem:$0x3FB8];
	_ =	sdelay $0x3  }
0x34: {  	[smem:$0x3FB8] =	sst s10  }
0x35: {  	s10 =	sld [smem:$0x3FB7];
	_ =	sdelay $0x3  }
0x36: {  	p1 =	seq.s32 s10, $0x1;
	s10 =	sld [smem:$0x3FB8];
	_ =	sdelay $0x3  }
0x37: {  	[smem:$0x3FB8] =	sst s10  }
0x38: {  	s10 =	sld [smem:$0x3FB9]  }
0x39: {  	_ = 	snop;
	(pc) =	sbr.ind lr, $3  }
0x3a: {  	_ = 	snop  }
0x3b: {  	_ = 	snop  }
0x3c: {  	p2 =	seq.s32 s10, $0x1;
	s10 =	sld [smem:$0x3FB8]  }
0x3d: {  	_ =	shalt  }
0x3e: {  	_ =	shalt  }
0x3f: {  	_ =	shalt  }
0x40: {  	_ =	shalt  }
0x41: {  	_ =	shalt  }
0x42: {  	_ =	shalt  }
0x43: {  	_ =	shalt  }
0x44: {  	_ =	shalt  }
0x45: {  	_ =	shalt  }
0x46: {  	_ =	shalt  }
0x47: {  	_ =	shalt  }
0x48: {  	_ =	shalt  }
0x49: {  	_ =	shalt  }
0x4a: {  	_ =	shalt  }
0x4b: {  	_ =	shalt  }
0x4c: {  	_ =	shalt  }
0x4d: {  	_ =	shalt  }
0x4e: {  	_ =	shalt  }
0x4f: {  	_ =	shalt  }
0x50: {  	_ =	shalt  }
0x51: {  	_ =	shalt  }
0x52: {  	_ =	shalt  }
0x53: {  	_ =	shalt  }
0x54: {  	_ =	shalt  }
0x55: {  	_ =	shalt  }
0x56: {  	_ =	shalt  }
0x57: {  	_ =	shalt  }
0x58: {  	_ =	shalt  }
0x59: {  	_ =	shalt  }
0x5a: {  	_ =	shalt  }
0x5b: {  	_ =	shalt  }
0x5c: {  	_ =	shalt  }
0x5d: {  	_ =	shalt  }
0x5e: {  	_ =	shalt  }
0x5f: {  	_ =	shalt  }
0x60: {  	_ =	shalt  }
0x61: {  	_ =	shalt  }
0x62: {  	_ =	shalt  }
0x63: {  	_ =	shalt  }
0x64: {  	_ =	shalt  }
0x65: {  	_ =	shalt  }
0x66: {  	_ =	shalt  }
0x67: {  	_ =	shalt  }
0x68: {  	_ =	shalt  }
0x69: {  	_ =	shalt  }
0x6a: {  	_ =	shalt  }
0x6b: {  	_ =	shalt  }
0x6c: {  	_ =	shalt  }
0x6d: {  	_ =	shalt  }
0x6e: {  	_ =	shalt  }
0x6f: {  	_ =	shalt  }
0x70: {  	_ =	shalt  }
0x71: {  	_ =	shalt  }
0x72: {  	_ =	shalt  }
0x73: {  	_ =	shalt  }
0x74: {  	_ =	shalt  }
0x75: {  	_ =	shalt  }
0x76: {  	_ =	shalt  }
0x77: {  	_ =	shalt  }
0x78: {  	_ =	shalt  }
0x79: {  	_ =	shalt  }
0x7a: {  	_ =	shalt  }
0x7b: {  	_ =	shalt  }
0x7c: {  	_ =	shalt  }
0x7d: {  	_ =	shalt  }
0x7e: {  	_ =	shalt  }
0x7f: {  	_ =	shalt  }
0x80: {  	_ =	shalt  }
0x81: {  	_ =	shalt  }
0x82: {  	_ =	shalt  }
0x83: {  	_ =	shalt  }
0x84: {  	_ =	shalt  }
0x85: {  	_ =	shalt  }
0x86: {  	_ =	shalt  }
0x87: {  	_ =	shalt  }
.Lfunc_end0:
.L_simem_size_0:
called_computation_lowered:
.L_overlay_start_0:
0x88: {  	s2 =	sld [smem:$0x3FD9]  }
0x89: {  	s3 =	sld [smem:$0x3FFE];
	_ =	sdelay $0x1  }
0x8a: {  	s1 =	srdreg.scid  }
0x8b: {  	s0 =	sand.u32 $0x1, s1  }
0x8c: {  	s17 =	sshll.u32 s0, $0xA;
	s2 =	sadd.s32 s3, s2  }
0x8d: {  	s2 =	sadd.s32 s2, s17  }
0x8e: {  	[smem:$0x3FC4] =	sst s2  }
0x8f: {  	_ = 	snop  }
0x90: {  	s2 =	sld [smem:$0x3FC9]  }
0x91: {  	s18 =	sld [smem:$0x3FD0];
	(tm) =	ssettm $0x1  }
0x92: {  	s4 =	sld [smem:$0x3FFB];
	_ =	sdelay $0x3  }
0x93: {  	_ =	strace s4  }
0x94: {  	s4 =	sld [smem:$0x3FFC];
	_ =	sdelay $0x3  }
0x95: {  	_ =	strace s4  }
0x96: {  	s4 =	sld [smem:$0x3FFD];
	_ =	sdelay $0x3  }
0x97: {  	_ =	strace s4  }
0x98: {  	_ =	strace $0x8FFFFFFF  }
0x99: {  	s19 =	sld [smem:$0x3FDB];
	_ =	sdelay $0x1  }
0x9a: {  	s5 =	simm.s32 $_scs_section_size  }
0x9b: {  	s6 =	simm.s32 $_size__tile_overlayer_lowered;
	s7 =	simm.s32 $_tile_overlayer_lowered  }
0x9c: {  	s22 =	simm.s32 $0x1BFF;
	s21 =	sshll.u32 s7, $0x1;
	s4 =	sadd.s32 s5, s19  }
0x9d: {  	s8 =	simm.s32 $0x0;
	s20 =	sshll.u32 s6, $0x1;
	s6 =	sadd.s32 s21, s4  }
0x9e: {  	[timem:s8], [sflag:s22] =	dma.local [hbm:s6], s20  }
0x9f: {  	_ =	swait.ge [sflag:s22], s20  }
0xa0: {  	s5 =	ssub.s32 $0x0, s20;
	[sflag:s22] =	ssyncset.done $0x0  }
0xa1: {  	[sflag:s22] =	ssyncadd.s32 s5;
	_ =	sdelay $0x1  }
0xa2: {  	s23 =	simm.s32 $0x1B8B  }
0xa3: {  	_ =	swait.ge [sflag:s23], $0x1  }
0xa4: {  	[sflag:s23] =	ssyncset.done $0x0  }
0xa5: {  	s25 =	simm.s32 $0x1B8E;
	s24 =	sld [smem:$0x3FFE];
	[sflag:s23] =	ssyncadd.s32 $0xFFFFFFFF  }
0xa6: {  	s26 =	simm.s32 $execute0_lowered;
	[smem:$0x3FD2] =	sst s25  }
0xa7: {  	s6 =	sshll.u32 s26, $0x1;
	_ =	strace $0x80000046;
	[dreg:$0x1] =	wrdreg $0xFFFFFFFF  }
0xa8: {  	s28 =	simm.s32 $_size_execute0_lowered;
	s4 =	sadd.s32 s4, s6;
	[dreg:$0x0] =	wrdreg $0x0  }
0xa9: {  	s6 =	sshll.u32 s28, $0x1;
	[dreg:$0x2] =	wrdreg s4  }
0xaa: {  	[dreg:$0x3] =	wrdreg s6  }
0xab: {  	[dreg:$0x4] =	wrdreg $0xC0  }
0xac: {  	_ =	task [dreg:s8], $0x5FFFF  }
0xad: {  	[dreg:$0x1] =	wrdreg $0xFFFFFFFF  }
0xae: {  	[dreg:$0x0] =	wrdreg $0x60  }
0xaf: {  	[dreg:$0x2] =	wrdreg s2  }
0xb0: {  	[dreg:$0x3] =	wrdreg s24  }
0xb1: {  	[dreg:$0x4] =	wrdreg s18  }
0xb2: {  	[dreg:$0x5] =	wrdreg $0x9  }
0xb3: {  	_ =	task.clear_ibuf [dreg:s8], $0x6FFFF;
	_ =	strace $0x90000046  }
0xb4: {  	s29 =	simm.s32 $0x9;
	_ =	strace $0x80000048  }
0xb5: {  	_ =	swait.ge [sflag:s29], $0x1  }
0xb6: {  	[sflag:s29] =	ssyncadd.s32 $0xFFFFFFFF  }
0xb7: {  	_ =	strace $0x90000048  }
0xb8: {  	_ =	sfence  }
0xb9: {  	s30 =	sld [smem:$0x0];
	_ =	sdelay $0x2  }
0xba: {  	s31 =	sshll.u32 s1, $0xD;
	s1 =	sshrl.u32 s1, $0x2  }
0xbb: {  	s3 =	sand.u32 $0x4000, s31;
	s1 =	sadd.s32 s1, s30  }
0xbc: {  	s0 =	sor.u32 s3, s0;
	s1 =	sshll.u32 s1, $0x11  }
0xbd: {  	s0 =	sor.u32 s1, s0  }
0xbe: {  	s0 =	sadd.s32 $0x8F2B, s0  }
0xbf: {  	[sflag:s0] =	ssyncadd.remote.s32 $0x1  }
0xc0: {  	_ =	sfence.sel $0xFFFF  }
0xc1: {  	[dreg:$0x0] =	wrdreg $0xFFFFFFFF;
	(pc) =	sbr.abs _section_cstart, $3  }
0xc2: {  	[dreg:$0x1] =	wrdreg $0xFFFFFFFF  }
0xc3: {  	_ =	task.clear_ibuf [dreg:s8], $0x2FFFF;
	_ =	strace $0x9FFFFFFF  }
0xc4: {  	(tm) =	ssettm $0x7FFFFFFF  }
0xc5: {  	_ =	shalt  }
tec
execute0_lowered:
.L_overlay_start_1:
0x0: {  	(tag) =	ssettag $0x1  }
0x1: {  	s4 =	rddreg [dreg:$0x0]  }
0x2: {  	s3 =	rddreg [dreg:$0x1]  }
0x3: {  	s5 =	rddreg [dreg:$0x2]  }
0x4: {  	s0 =	rddreg [dreg:$0x3]  }
0x5: {  	s2 =	simm.s32 $0x0;
	s6 =	srdreg.scid;
	s1 =	stileid.u32  }
0x6: {  	s10 =	simm.s32 $0x80;
	s11 =	simm.s32 $0x1;
	s12 =	simm.s32 $0xC800  }
0x7: {  	s13 =	simm.s32 $0x0;
	[smem:$0x7FF] =	sst s2;
	s6 =	sand.u32 $0x1, s6  }
0x8: {  	s7 =	sshll.u32 s1, $0x1;
	s3 =	sadd.s32 $0x800, s3;
	s8 =	ssub.s32 $0x2, s6  }
0x9: {  	_ =	strace $0x80000047;
	s6 =	sor.u32 s6, s7;
	s31 =	sshrl.u32 s8, $0x1  }
0xa: {  	s9 =	sshll.u32 s6, $0x7;
	s6 =	sshll.u32 s6, $0x4;
	s7 =	ssub.s32 s8, s31  }
0xb: {  	s4 =	sadd.s32 s4, s9;
	s5 =	sadd.s32 s5, s6;
	s8 =	simm.s32 $0x8000  }
0xc: {  	s9 =	simm.s32 $0x2;
	s6 =	smax.u32 s7, $0x1;
	s7 =	simm.s32 $0x400  }
.LBB2_1:
0xd: {  	[tilespmem:s2], [sflag:$0x2] =	stream.strided.gather [hbm4b:s4+s7], $0x6400, s8, s7, $0x38;
	[tilespmem:$0xC880] =	vst v63  }
0xe: {  	_ =	swait.ge [sflag:s9], $0x6400  }
0xf: {  	[sflag:s9] =	ssyncset.done $0x0  }
0x10: {  	s14 =	simm.s32 $0x0;
	[sflag:s9] =	ssyncadd.s32 $0xFFFF9C00  }
.LBB2_2:
0x11: {  	p0 =	sne.s32 s14, $0x18E00  }
.Ltmp0:
0x12: {  	_ = 	snop;
	(pc) =	sbr.rel @p0 .LBB2_2-.Ltmp0, $4  }
0x13: {  	_ = 	snop  }
0x14: {  	s15 =	sshra.s32 s14, $0x2  }
0x15: {  	s14 =	sadd.s32 $0x200, s14;
	s16 =	sadd.s32 $0x6400, s15  }
0x16: {  	[tilespmem:s16], [sflag:$0x1] =	stream.indirect.gather [hbm4b:s3+s10], $0x1, s15, s10, $0xb8;
	[tilespmem:$0xC880] =	vst v63  }
0x17: {  	_ =	swait.ge [sflag:s11], $0x80  }
0x18: {  	[sflag:s11] =	ssyncset.done $0x0  }
0x19: {  	s14 =	simm.s32 $0x0;
	[sflag:s11] =	ssyncadd.s32 $0xFFFFFF80  }
0x1a: {  	v2 =	vld [tilespmem:s14+$0x6470]  }
0x1b: {  	v6 =	vld [tilespmem:s14+$0x6450]  }
0x1c: {  	v0 =	vimm.f32 $0.0e+00;
	v3 =	vimm.f32 $0.0e+00;
	v11 =	vld [tilespmem:s14+$0x6420]  }
0x1d: {  	v8 =	vimm.f32 $0.0e+00;
	v1 =	vimm.f32 $0.0e+00;
	v5 =	vimm.f32 $0.0e+00;
	v4 =	vld [tilespmem:s14+$0x6460]  }
0x1e: {  	s15 =	simm.s32 $0x200;
	v7 =	vimm.f32 $0.0e+00;
	v10 =	vimm.f32 $0.0e+00;
	v12 =	vimm.f32 $0.0e+00;
	v9 =	vld [tilespmem:s14+$0x6440]  }
.LBB2_4:
0x1f: {  	p0 =	sne.s32 s15, $0x18E00;
	v13 =	vld [tilespmem:s14+$0x6430];
	v0 =	vadd.f32 v2, v0;
	s16 =	smov.u32 s15;
	s15 =	sadd.s32 $0x200, s15  }
0x20: {  	v14 =	vld [tilespmem:s14+$0x6410];
	v3 =	vadd.f32 v6, v3  }
0x21: {  	v15 =	vld [tilespmem:s14+$0x6400];
	v8 =	vadd.f32 v11, v8  }
0x22: {  	_ =	swait.ge [sflag:s11], $0x80;
	v1 =	vadd.f32 v4, v1  }
0x23: {  	[sflag:s11] =	ssyncset.done $0x0;
	v5 =	vadd.f32 v9, v5  }
0x24: {  	s14 =	sshra.s32 s16, $0x2;
	[sflag:s11] =	ssyncadd.s32 $0xFFFFFF80;
	v7 =	vadd.f32 v13, v7  }
.Ltmp1:
0x25: {  	v2 =	vld [tilespmem:s14+$0x6470];
	v10 =	vadd.f32 v14, v10;
	(pc) =	sbr.rel @p0 .LBB2_4-.Ltmp1, $4  }
0x26: {  	v6 =	vld [tilespmem:s14+$0x6450];
	v12 =	vadd.f32 v15, v12  }
0x27: {  	v11 =	vld [tilespmem:s14+$0x6420]  }
0x28: {  	v4 =	vld [tilespmem:s14+$0x6460]  }
0x29: {  	v9 =	vld [tilespmem:s14+$0x6440]  }
0x2a: {  	v13 =	vld [tilespmem:s14+$0x6400];
	_ =	sdelay $0x4  }
0x2b: {  	v12 =	vadd.f32 v13, v12;
	_ =	sdelay $0x1  }
0x2c: {  	v12 =	vmul.f32 $4.999999890e-03, v12;
	_ =	sdelay $0x1  }
0x2d: {  	v12 =	vsub.f32 $0.0e+00, v12;
	_ =	sdelay $0x1  }
0x2e: {  	v12 =	vmul.f32 $1.442695020e+00, v12;
	_ =	sdelay $0x1  }
0x2f: {  	v47 =	vld [tilespmem:s14+$0x6410];
	(erf) = vpow2.f32 v12;
	_ =	sdelay $0x4  }
0x30: {  	v10 =	vadd.f32 v47, v10;
	_ =	sdelay $0x1  }
0x31: {  	v10 =	vmul.f32 $4.999999890e-03, v10;
	_ =	sdelay $0x1  }
0x32: {  	v10 =	vsub.f32 $0.0e+00, v10;
	v12 =	vpop (erf)  }
0x33: {  	v12 =	vadd.f32 $1.000000000e+00, v12  }
0x34: {  	v10 =	vmul.f32 $1.442695020e+00, v10  }
0x35: {  	(erf) = vrcp.f32 v12  }
0x36: {  	(erf) = vpow2.f32 v10;
	_ =	sdelay $0x4  }
0x37: {  	v8 =	vadd.f32 v11, v8;
	_ =	sdelay $0x1  }
0x38: {  	v8 =	vmul.f32 $4.999999890e-03, v8  }
0x39: {  	v48 =	vpop (erf)  }
0x3a: {  	v8 =	vsub.f32 $0.0e+00, v8;
	v49 =	vpop (erf)  }
0x3b: {  	v11 =	vadd.f32 $1.000000000e+00, v49  }
0x3c: {  	v8 =	vmul.f32 $1.442695020e+00, v8  }
0x3d: {  	(erf) = vrcp.f32 v11  }
0x3e: {  	v50 =	vld [tilespmem:s14+$0x6430];
	(erf) = vpow2.f32 v8;
	_ =	sdelay $0x4  }
0x3f: {  	v7 =	vadd.f32 v50, v7;
	_ =	sdelay $0x1  }
0x40: {  	v7 =	vmul.f32 $4.999999890e-03, v7  }
0x41: {  	v51 =	vpop (erf)  }
0x42: {  	v7 =	vsub.f32 $0.0e+00, v7;
	v52 =	vpop (erf)  }
0x43: {  	v11 =	vadd.f32 $1.000000000e+00, v52  }
0x44: {  	v7 =	vmul.f32 $1.442695020e+00, v7  }
0x45: {  	(erf) = vrcp.f32 v11  }
0x46: {  	(erf) = vpow2.f32 v7;
	_ =	sdelay $0x4  }
0x47: {  	v5 =	vadd.f32 v9, v5;
	_ =	sdelay $0x1  }
0x48: {  	v5 =	vmul.f32 $4.999999890e-03, v5  }
0x49: {  	v53 =	vpop (erf)  }
0x4a: {  	v5 =	vsub.f32 $0.0e+00, v5;
	v54 =	vpop (erf)  }
0x4b: {  	v9 =	vadd.f32 $1.000000000e+00, v54  }
0x4c: {  	v5 =	vmul.f32 $1.442695020e+00, v5  }
0x4d: {  	(erf) = vrcp.f32 v9  }
0x4e: {  	(erf) = vpow2.f32 v5;
	_ =	sdelay $0x4  }
0x4f: {  	v3 =	vadd.f32 v6, v3;
	_ =	sdelay $0x1  }
0x50: {  	v3 =	vmul.f32 $4.999999890e-03, v3  }
0x51: {  	v55 =	vpop (erf)  }
0x52: {  	v3 =	vsub.f32 $0.0e+00, v3;
	v56 =	vpop (erf)  }
0x53: {  	v6 =	vadd.f32 $1.000000000e+00, v56  }
0x54: {  	v3 =	vmul.f32 $1.442695020e+00, v3  }
0x55: {  	(erf) = vrcp.f32 v6  }
0x56: {  	(erf) = vpow2.f32 v3;
	_ =	sdelay $0x4  }
0x57: {  	v1 =	vadd.f32 v4, v1;
	_ =	sdelay $0x1  }
0x58: {  	v1 =	vmul.f32 $4.999999890e-03, v1  }
0x59: {  	v57 =	vpop (erf)  }
0x5a: {  	v1 =	vsub.f32 $0.0e+00, v1;
	v58 =	vpop (erf)  }
0x5b: {  	v4 =	vadd.f32 $1.000000000e+00, v58  }
0x5c: {  	v1 =	vmul.f32 $1.442695020e+00, v1  }
0x5d: {  	(erf) = vrcp.f32 v4  }
0x5e: {  	(erf) = vpow2.f32 v1;
	_ =	sdelay $0x4  }
0x5f: {  	v0 =	vadd.f32 v2, v0;
	_ =	sdelay $0x1  }
0x60: {  	v0 =	vmul.f32 $4.999999890e-03, v0  }
0x61: {  	v59 =	vpop (erf)  }
0x62: {  	v0 =	vsub.f32 $0.0e+00, v0;
	v60 =	vpop (erf)  }
0x63: {  	v2 =	vadd.f32 $1.000000000e+00, v60  }
0x64: {  	v0 =	vmul.f32 $1.442695020e+00, v0  }
0x65: {  	(erf) = vrcp.f32 v2  }
0x66: {  	(erf) = vpow2.f32 v0;
	_ =	sdelay $0x7  }
0x67: {  	v61 =	vpop (erf)  }
0x68: {  	v62 =	vpop (erf)  }
0x69: {  	v2 =	vadd.f32 $1.000000000e+00, v62;
	_ =	sdelay $0x1  }
0x6a: {  	(erf) = vrcp.f32 v2;
	_ =	sdelay $0x2  }
0x6b: {  	[tilespmem:$0xC800] =	vst v48  }
0x6c: {  	[tilespmem:$0xC810] =	vst v51  }
0x6d: {  	[tilespmem:$0xC820] =	vst v53  }
0x6e: {  	[tilespmem:$0xC830] =	vst v55  }
0x6f: {  	[tilespmem:$0xC840] =	vst v57  }
0x70: {  	s13 =	sadd.s32 $0x1, s13;
	[tilespmem:$0xC850] =	vst v59  }
0x71: {  	p0 =	sne.s32 s13, s6;
	[tilespmem:$0xC860] =	vst v61;
	v63 =	vpop (erf)  }
.Ltmp2:
0x72: {  	[tilespmem:$0xC870] =	vst v63;
	(pc) =	sbr.rel @p0 .LBB2_1-.Ltmp2, $4  }
0x73: {  	[hbm4b:s5+s2] =	stream.linear.scatter [tilespmem:s12], [sflag:$0x2], $0x80, $0x38;
	[tilespmem:$0xC880] =	vst v63  }
0x74: {  	_ =	swait.ge [sflag:s9], $0x80  }
0x75: {  	[sflag:s9] =	ssyncset.done $0x0  }
0x76: {  	[sflag:s9] =	ssyncadd.s32 $0xFFFFFF80  }
0x77: {  	_ =	sfence.sel $0x180000  }
0x78: {  	[bflag:$0x0] =	sbarrier.arrive $0xFFFF  }
0x79: {  	p0 =	sne.s32 s1, $0x0;
	_ =	strace $0x90000047  }
0x7a: {  	s0 =	sadd.s32 @!p0 $0x100000, s0;
	[bflag:$0x2] =	sbarrier.arrive $0xFFFF  }
0x7b: {  	[sflag:s0] =	ssyncadd.tile.s32 @!p0 $0x1;
	_ =	shalt  }
.Lfunc_end2:
_tile_overlayer_lowered:
.L_overlay_start_2:
0x7c: {  	(tag) =	ssettag $0x2  }
0x7d: {  	s0 =	rddreg [dreg:$0x0];
	s2 =	stileid.u32  }
0x7e: {  	s1 =	rddreg [dreg:$0x1];
	p0 =	sne.s32 s2, $0x0  }
0x7f: {  	s3 =	rddreg [dreg:$0x2];
	[bflag:$0x3] =	sbarrier.arrive $0xFFFF;
	s2 =	simm.s32 @!p0 $0x1C02  }
0x80: {  	[timem:s3], [sflag:s2] =	dma.local @!p0 [hbm:s0], s1  }
0x81: {  	s0 =	simm.s32 @!p0 $0x2  }
0x82: {  	_ =	swait.ge @!p0 [sflag:s0], s1  }
0x83: {  	s1 =	ssub.s32 @!p0 $0x0, s1;
	[sflag:s0] =	ssyncset.done @!p0 $0x0  }
0x84: {  	[sflag:s0] =	ssyncadd.s32 @!p0 s1  }
0x85: {  	[bflag:$0x3] =	sbarrier.arrive $0xFFFF  }
0x86: {  	_ =	shalt  }

</sc_bundles>
